<compile_context>
chip_gen: v7x
topology: tpu7x:2x2x1
jax: 0.10.2.dev20260603
libtpu: 0.0.44.dev20260713+nightly
codegen_flags: <defaults>
</compile_context>

<pallas_src>
import functools

import jax
import jax.numpy as jnp
from jax import lax
from jax.experimental import pallas as pl
from jax.experimental.pallas import tpu as pltpu
from jax.experimental.pallas import tpu_sc as plsc

N_ROWS = 100000
LD = 16
B = 16384

_info = plsc.get_sparse_core_info()
NC = _info.num_cores
NS = _info.num_subcores
NW = NC * NS
B_PER_W = B // NW
CHUNK = 128
NCHUNK = B_PER_W // CHUNK


def _body(idx_hbm, q_mu_hbm, q_ls_hbm, eps_hbm, out_hbm,
          idx_v, mu_v, ls_v, eps_v, out_v, sem):
    wid = lax.axis_index("s") * NC + lax.axis_index("c")
    base = wid * B_PER_W
    pltpu.sync_copy(idx_hbm.at[pl.ds(wid * NCHUNK, NCHUNK)], idx_v)
    eps_cp = pltpu.async_copy(eps_hbm.at[pl.ds(base, B_PER_W)], eps_v, sem)
    cps = []
    for j in range(NCHUNK):
        sl = pl.ds(j * CHUNK, CHUNK)
        cps.append(pltpu.async_copy(q_mu_hbm.at[idx_v.at[j]], mu_v.at[sl], sem))
        cps.append(pltpu.async_copy(q_ls_hbm.at[idx_v.at[j]], ls_v.at[sl], sem))
    eps_cp.wait()
    for cp in cps:
        cp.wait()

    def row(i, _):
        out_v[i] = mu_v[i] + jnp.exp(ls_v[i]) * eps_v[i]
        return 0

    lax.fori_loop(0, B_PER_W, row, 0)
    pltpu.sync_copy(out_v, out_hbm.at[pl.ds(base, B_PER_W)])


@jax.jit
def _run(idx2d, q_mu, q_log_sigma, eps):
    mesh = plsc.VectorSubcoreMesh(core_axis_name="c", subcore_axis_name="s")
    f = functools.partial(
        pl.kernel,
        mesh=mesh,
        out_type=jax.ShapeDtypeStruct((B, LD), jnp.float32),
        scratch_types=[
            pltpu.VMEM((NCHUNK, CHUNK), jnp.int32),
            pltpu.VMEM((B_PER_W, LD), jnp.float32),
            pltpu.VMEM((B_PER_W, LD), jnp.float32),
            pltpu.VMEM((B_PER_W, LD), jnp.float32),
            pltpu.VMEM((B_PER_W, LD), jnp.float32),
            pltpu.SemaphoreType.DMA,
        ],
        compiler_params=pltpu.CompilerParams(use_tc_tiling_on_sc=False),
    )(_body)
    return f(idx2d, q_mu, q_log_sigma, eps)


def kernel(batch_idx, q_mu, q_log_sigma, prior_loc, prior_var, eps):
    del prior_loc, prior_var
    idx2d = batch_idx.astype(jnp.int32).reshape(NW * NCHUNK, CHUNK)
    return _run(idx2d, q_mu, q_log_sigma, eps)

# --- scband reference (transcript-rebuilt; emitter-appended) ---
"""Pipeline reference for scband-variational-latent-variable-3272765079986 (READ-ONLY COPY).

The authoritative reference and input builder live on the scoring server;
editing this copy changes nothing except your own understanding.
"""

import jax, jax.numpy as jnp
import numpy as np

N = 100000      # n (number of latent points / table rows)
LD = 16         # latent_dim
B = 16384       # minibatch of indices
DATA_DIM = 26   # data_dim (only scales the registered KL loss term)


def setup_inputs(seed: int = 0) -> dict:
    key = jax.random.key(seed)
    k1, k2, k3, k4 = jax.random.split(key, 4)
    batch_idx = jax.random.randint(k1, (B,), 0, N)
    # Learned variational parameters
    q_mu = jax.random.normal(k2, (N, LD), dtype=jnp.float32)        # X_init
    q_log_sigma = jax.random.normal(k3, (N, LD), dtype=jnp.float32)
    # Prior p(x): standard Normal per latent point (prior_x.loc, prior_x.variance)
    prior_loc = jnp.zeros((N, LD), dtype=jnp.float32)
    prior_var = jnp.ones((N, LD), dtype=jnp.float32)
    # Reparameterization noise for q_x.rsample() (fixed for determinism)
    eps = jax.random.normal(k4, (B, LD), dtype=jnp.float32)
    return {
        "batch_idx": batch_idx,
        "q_mu": q_mu,
        "q_log_sigma": q_log_sigma,
        "prior_loc": prior_loc,
        "prior_var": prior_var,
        "eps": eps,
    }


def reference(batch_idx, q_mu, q_log_sigma, prior_loc, prior_var, eps):
    # Gather variational parameters for the minibatch (embedding lookup)
    q_mu_batch = jnp.take(q_mu, batch_idx, axis=0)
    q_log_sigma_batch = jnp.take(q_log_sigma, batch_idx, axis=0)
    q_scale = jnp.exp(q_log_sigma_batch)
    # Gather prior parameters (used for the registered KL added-loss term;
    # note the original code passes prior variance as the Normal scale)
    p_mu_batch = jnp.take(prior_loc, batch_idx, axis=0)
    p_var_batch = jnp.take(prior_var, batch_idx, axis=0)
    # KL(q || p) per element for Normal(q_mu, q_scale) vs Normal(p_mu, p_var-as-scale)
    var_ratio = (q_scale / p_var_batch) ** 2
    t1 = ((q_mu_batch - p_mu_batch) / p_var_batch) ** 2
    kl = 0.5 * (var_ratio + t1 - 1.0 - jnp.log(var_ratio))
    kl_per_latent_dim = kl.sum(axis=0)
    kl_per_point = kl_per_latent_dim.sum() / batch_idx.shape[0]
    x_kl = kl_per_point / DATA_DIM  # side-registered added loss term
    # forward() returns q_x.rsample()
    sample = q_mu_batch + q_scale * eps
    return sample

if __name__ == "__main__":
    import jax
    _d = setup_inputs()
    print(jax.jit(kernel)(*tuple(_d.values())))

</pallas_src>

<mosaic_0001>
#map = affine_map<(d0, d1) -> (0, 0)>
module attributes {stable_mosaic.version = 14 : i64} {
  func.func @_body(%arg0: i32, %arg1: i32, %arg2: memref<128x128xi32, #tpu.memory_space<hbm>>, %arg3: memref<100000x16xf32, #tpu.memory_space<hbm>>, %arg4: memref<100000x16xf32, #tpu.memory_space<hbm>>, %arg5: memref<16384x16xf32, #tpu.memory_space<hbm>>, %arg6: memref<16384x16xf32, #tpu.memory_space<hbm>>, %arg7: memref<4x128xi32, #tpu.memory_space<vmem>>, %arg8: memref<512x16xf32, #tpu.memory_space<vmem>>, %arg9: memref<512x16xf32, #tpu.memory_space<vmem>>, %arg10: memref<512x16xf32, #tpu.memory_space<vmem>>, %arg11: memref<512x16xf32, #tpu.memory_space<vmem>>, %arg12: memref<!tpu.dma_semaphore, #tpu.memory_space<semaphore_mem>>) attributes {dimension_semantics = [#tpu.dimension_semantics<core_parallel>, #tpu.dimension_semantics<subcore_parallel>], iteration_bounds = array<i64: 2, 16>, scalar_prefetch = 0 : i64, scratch_operands = 6 : i64, tpu.core_type = #tpu.core_type<sc_vector_subcore>, window_params = [{transform_indices = #map}, {transform_indices = #map}, {transform_indices = #map}, {transform_indices = #map}, {transform_indices = #map}]} {
    %mul3A = arith.constant 2 : i32
    %mul3A_0 = arith.muli %arg1, %mul3A : i32
    %add3A = arith.addi %mul3A_0, %arg0 : i32
    %mul3A_1 = arith.constant 512 : i32
    %mul3A_2 = arith.muli %add3A, %mul3A_1 : i32
    %mul3A_3 = arith.constant 4 : i32
    %mul3A_4 = arith.muli %add3A, %mul3A_3 : i32
    "tpu.region"() ({
      %run_scoped3A = tpu.sem_alloc : memref<!tpu.dma_semaphore, #tpu.memory_space<semaphore_mem>>
      %dma_start3A_177 = arith.constant 0 : i32
      %dma_start3A_178 = tpu.memref_slice %arg2[%mul3A_4, %dma_start3A_177] : memref<128x128xi32, #tpu.memory_space<hbm>> -> memref<4x128xi32, #tpu.memory_space<hbm>>
      %dma_start3A_179 = arith.constant 0 : i32
      %dma_start3A_180 = tpu.memref_slice %arg2[%mul3A_4, %dma_start3A_179] : memref<128x128xi32, #tpu.memory_space<hbm>> -> memref<4x128xi32, #tpu.memory_space<hbm>>
      tpu.enqueue_dma source(%dma_start3A_180 : memref<4x128xi32, #tpu.memory_space<hbm>>) target(%arg7 : memref<4x128xi32, #tpu.memory_space<vmem>>) target_semaphore(%run_scoped3A : memref<!tpu.dma_semaphore, #tpu.memory_space<semaphore_mem>>)
      %dma_wait3A_181 = arith.constant 0 : i32
      %dma_wait3A_182 = tpu.memref_slice %arg2[%mul3A_4, %dma_wait3A_181] : memref<128x128xi32, #tpu.memory_space<hbm>> -> memref<4x128xi32, #tpu.memory_space<hbm>>
      %dma_wait3A_183 = arith.constant 0 : i32
      %dma_wait3A_184 = tpu.memref_slice %arg2[%mul3A_4, %dma_wait3A_183] : memref<128x128xi32, #tpu.memory_space<hbm>> -> memref<4x128xi32, #tpu.memory_space<hbm>>
      tpu.wait_dma2 semaphore(%run_scoped3A : memref<!tpu.dma_semaphore, #tpu.memory_space<semaphore_mem>>) src(%dma_wait3A_184 : memref<4x128xi32, #tpu.memory_space<hbm>>) dst(%arg7 : memref<4x128xi32, #tpu.memory_space<vmem>>)
      tpu.yield
    }) : () -> ()
    %dma_start3A = arith.constant 0 : i32
    %dma_start3A_5 = tpu.memref_slice %arg5[%mul3A_2, %dma_start3A] : memref<16384x16xf32, #tpu.memory_space<hbm>> -> memref<512x16xf32, #tpu.memory_space<hbm>>
    %dma_start3A_6 = arith.constant 0 : i32
    %dma_start3A_7 = tpu.memref_slice %arg5[%mul3A_2, %dma_start3A_6] : memref<16384x16xf32, #tpu.memory_space<hbm>> -> memref<512x16xf32, #tpu.memory_space<hbm>>
    tpu.enqueue_dma source(%dma_start3A_7 : memref<512x16xf32, #tpu.memory_space<hbm>>) target(%arg10 : memref<512x16xf32, #tpu.memory_space<vmem>>) target_semaphore(%arg12 : memref<!tpu.dma_semaphore, #tpu.memory_space<semaphore_mem>>)
    %dma_start3A_8 = arith.constant 0 : i32
    %dma_start3A_9 = arith.constant 0 : i32
    %dma_start3A_10 = arith.constant 0 : i32
    %dma_start3A_11 = tpu.memref_slice %arg8[%dma_start3A_9, %dma_start3A_10] : memref<512x16xf32, #tpu.memory_space<vmem>> -> memref<128x16xf32, #tpu.memory_space<vmem>>
    %dma_start3A_12 = arith.constant 0 : i32
    %dma_start3A_13 = tpu.memref_slice %arg7[%dma_start3A_8, %dma_start3A_12] : memref<4x128xi32, #tpu.memory_space<vmem>> -> memref<1x128xi32, #tpu.memory_space<vmem>>
    %dma_start3A_14 = tpu.memref_squeeze %dma_start3A_13 : memref<1x128xi32, #tpu.memory_space<vmem>> -> memref<128xi32, #tpu.memory_space<vmem>>
    %dma_start3A_15 = arith.constant 0 : i32
    %dma_start3A_16 = arith.constant 0 : i32
    %dma_start3A_17 = tpu.memref_slice %arg3[%dma_start3A_15, %dma_start3A_16] : memref<100000x16xf32, #tpu.memory_space<hbm>> -> memref<100000x16xf32, #tpu.memory_space<hbm>>
    tpu.enqueue_indirect_dma source(%dma_start3A_17 : memref<100000x16xf32, #tpu.memory_space<hbm>>) target(%dma_start3A_11 : memref<128x16xf32, #tpu.memory_space<vmem>>) offsets(%dma_start3A_14 : memref<128xi32, #tpu.memory_space<vmem>>) semaphore(%arg12 : memref<!tpu.dma_semaphore, #tpu.memory_space<semaphore_mem>>)
    %dma_start3A_18 = arith.constant 0 : i32
    %dma_start3A_19 = arith.constant 0 : i32
    %dma_start3A_20 = arith.constant 0 : i32
    %dma_start3A_21 = tpu.memref_slice %arg9[%dma_start3A_19, %dma_start3A_20] : memref<512x16xf32, #tpu.memory_space<vmem>> -> memref<128x16xf32, #tpu.memory_space<vmem>>
    %dma_start3A_22 = arith.constant 0 : i32
    %dma_start3A_23 = tpu.memref_slice %arg7[%dma_start3A_18, %dma_start3A_22] : memref<4x128xi32, #tpu.memory_space<vmem>> -> memref<1x128xi32, #tpu.memory_space<vmem>>
    %dma_start3A_24 = tpu.memref_squeeze %dma_start3A_23 : memref<1x128xi32, #tpu.memory_space<vmem>> -> memref<128xi32, #tpu.memory_space<vmem>>
    %dma_start3A_25 = arith.constant 0 : i32
    %dma_start3A_26 = arith.constant 0 : i32
    %dma_start3A_27 = tpu.memref_slice %arg4[%dma_start3A_25, %dma_start3A_26] : memref<100000x16xf32, #tpu.memory_space<hbm>> -> memref<100000x16xf32, #tpu.memory_space<hbm>>
    tpu.enqueue_indirect_dma source(%dma_start3A_27 : memref<100000x16xf32, #tpu.memory_space<hbm>>) target(%dma_start3A_21 : memref<128x16xf32, #tpu.memory_space<vmem>>) offsets(%dma_start3A_24 : memref<128xi32, #tpu.memory_space<vmem>>) semaphore(%arg12 : memref<!tpu.dma_semaphore, #tpu.memory_space<semaphore_mem>>)
    %dma_start3A_28 = arith.constant 1 : i32
    %dma_start3A_29 = arith.constant 128 : i32
    %dma_start3A_30 = arith.constant 0 : i32
    %dma_start3A_31 = tpu.memref_slice %arg8[%dma_start3A_29, %dma_start3A_30] : memref<512x16xf32, #tpu.memory_space<vmem>> -> memref<128x16xf32, #tpu.memory_space<vmem>>
    %dma_start3A_32 = arith.constant 0 : i32
    %dma_start3A_33 = tpu.memref_slice %arg7[%dma_start3A_28, %dma_start3A_32] : memref<4x128xi32, #tpu.memory_space<vmem>> -> memref<1x128xi32, #tpu.memory_space<vmem>>
    %dma_start3A_34 = tpu.memref_squeeze %dma_start3A_33 : memref<1x128xi32, #tpu.memory_space<vmem>> -> memref<128xi32, #tpu.memory_space<vmem>>
    %dma_start3A_35 = arith.constant 0 : i32
    %dma_start3A_36 = arith.constant 0 : i32
    %dma_start3A_37 = tpu.memref_slice %arg3[%dma_start3A_35, %dma_start3A_36] : memref<100000x16xf32, #tpu.memory_space<hbm>> -> memref<100000x16xf32, #tpu.memory_space<hbm>>
    tpu.enqueue_indirect_dma source(%dma_start3A_37 : memref<100000x16xf32, #tpu.memory_space<hbm>>) target(%dma_start3A_31 : memref<128x16xf32, #tpu.memory_space<vmem>>) offsets(%dma_start3A_34 : memref<128xi32, #tpu.memory_space<vmem>>) semaphore(%arg12 : memref<!tpu.dma_semaphore, #tpu.memory_space<semaphore_mem>>)
    %dma_start3A_38 = arith.constant 1 : i32
    %dma_start3A_39 = arith.constant 128 : i32
    %dma_start3A_40 = arith.constant 0 : i32
    %dma_start3A_41 = tpu.memref_slice %arg9[%dma_start3A_39, %dma_start3A_40] : memref<512x16xf32, #tpu.memory_space<vmem>> -> memref<128x16xf32, #tpu.memory_space<vmem>>
    %dma_start3A_42 = arith.constant 0 : i32
    %dma_start3A_43 = tpu.memref_slice %arg7[%dma_start3A_38, %dma_start3A_42] : memref<4x128xi32, #tpu.memory_space<vmem>> -> memref<1x128xi32, #tpu.memory_space<vmem>>
    %dma_start3A_44 = tpu.memref_squeeze %dma_start3A_43 : memref<1x128xi32, #tpu.memory_space<vmem>> -> memref<128xi32, #tpu.memory_space<vmem>>
    %dma_start3A_45 = arith.constant 0 : i32
    %dma_start3A_46 = arith.constant 0 : i32
    %dma_start3A_47 = tpu.memref_slice %arg4[%dma_start3A_45, %dma_start3A_46] : memref<100000x16xf32, #tpu.memory_space<hbm>> -> memref<100000x16xf32, #tpu.memory_space<hbm>>
    tpu.enqueue_indirect_dma source(%dma_start3A_47 : memref<100000x16xf32, #tpu.memory_space<hbm>>) target(%dma_start3A_41 : memref<128x16xf32, #tpu.memory_space<vmem>>) offsets(%dma_start3A_44 : memref<128xi32, #tpu.memory_space<vmem>>) semaphore(%arg12 : memref<!tpu.dma_semaphore, #tpu.memory_space<semaphore_mem>>)
    %dma_start3A_48 = arith.constant 2 : i32
    %dma_start3A_49 = arith.constant 256 : i32
    %dma_start3A_50 = arith.constant 0 : i32
    %dma_start3A_51 = tpu.memref_slice %arg8[%dma_start3A_49, %dma_start3A_50] : memref<512x16xf32, #tpu.memory_space<vmem>> -> memref<128x16xf32, #tpu.memory_space<vmem>>
    %dma_start3A_52 = arith.constant 0 : i32
    %dma_start3A_53 = tpu.memref_slice %arg7[%dma_start3A_48, %dma_start3A_52] : memref<4x128xi32, #tpu.memory_space<vmem>> -> memref<1x128xi32, #tpu.memory_space<vmem>>
    %dma_start3A_54 = tpu.memref_squeeze %dma_start3A_53 : memref<1x128xi32, #tpu.memory_space<vmem>> -> memref<128xi32, #tpu.memory_space<vmem>>
    %dma_start3A_55 = arith.constant 0 : i32
    %dma_start3A_56 = arith.constant 0 : i32
    %dma_start3A_57 = tpu.memref_slice %arg3[%dma_start3A_55, %dma_start3A_56] : memref<100000x16xf32, #tpu.memory_space<hbm>> -> memref<100000x16xf32, #tpu.memory_space<hbm>>
    tpu.enqueue_indirect_dma source(%dma_start3A_57 : memref<100000x16xf32, #tpu.memory_space<hbm>>) target(%dma_start3A_51 : memref<128x16xf32, #tpu.memory_space<vmem>>) offsets(%dma_start3A_54 : memref<128xi32, #tpu.memory_space<vmem>>) semaphore(%arg12 : memref<!tpu.dma_semaphore, #tpu.memory_space<semaphore_mem>>)
    %dma_start3A_58 = arith.constant 2 : i32
    %dma_start3A_59 = arith.constant 256 : i32
    %dma_start3A_60 = arith.constant 0 : i32
    %dma_start3A_61 = tpu.memref_slice %arg9[%dma_start3A_59, %dma_start3A_60] : memref<512x16xf32, #tpu.memory_space<vmem>> -> memref<128x16xf32, #tpu.memory_space<vmem>>
    %dma_start3A_62 = arith.constant 0 : i32
    %dma_start3A_63 = tpu.memref_slice %arg7[%dma_start3A_58, %dma_start3A_62] : memref<4x128xi32, #tpu.memory_space<vmem>> -> memref<1x128xi32, #tpu.memory_space<vmem>>
    %dma_start3A_64 = tpu.memref_squeeze %dma_start3A_63 : memref<1x128xi32, #tpu.memory_space<vmem>> -> memref<128xi32, #tpu.memory_space<vmem>>
    %dma_start3A_65 = arith.constant 0 : i32
    %dma_start3A_66 = arith.constant 0 : i32
    %dma_start3A_67 = tpu.memref_slice %arg4[%dma_start3A_65, %dma_start3A_66] : memref<100000x16xf32, #tpu.memory_space<hbm>> -> memref<100000x16xf32, #tpu.memory_space<hbm>>
    tpu.enqueue_indirect_dma source(%dma_start3A_67 : memref<100000x16xf32, #tpu.memory_space<hbm>>) target(%dma_start3A_61 : memref<128x16xf32, #tpu.memory_space<vmem>>) offsets(%dma_start3A_64 : memref<128xi32, #tpu.memory_space<vmem>>) semaphore(%arg12 : memref<!tpu.dma_semaphore, #tpu.memory_space<semaphore_mem>>)
    %dma_start3A_68 = arith.constant 3 : i32
    %dma_start3A_69 = arith.constant 384 : i32
    %dma_start3A_70 = arith.constant 0 : i32
    %dma_start3A_71 = tpu.memref_slice %arg8[%dma_start3A_69, %dma_start3A_70] : memref<512x16xf32, #tpu.memory_space<vmem>> -> memref<128x16xf32, #tpu.memory_space<vmem>>
    %dma_start3A_72 = arith.constant 0 : i32
    %dma_start3A_73 = tpu.memref_slice %arg7[%dma_start3A_68, %dma_start3A_72] : memref<4x128xi32, #tpu.memory_space<vmem>> -> memref<1x128xi32, #tpu.memory_space<vmem>>
    %dma_start3A_74 = tpu.memref_squeeze %dma_start3A_73 : memref<1x128xi32, #tpu.memory_space<vmem>> -> memref<128xi32, #tpu.memory_space<vmem>>
    %dma_start3A_75 = arith.constant 0 : i32
    %dma_start3A_76 = arith.constant 0 : i32
    %dma_start3A_77 = tpu.memref_slice %arg3[%dma_start3A_75, %dma_start3A_76] : memref<100000x16xf32, #tpu.memory_space<hbm>> -> memref<100000x16xf32, #tpu.memory_space<hbm>>
    tpu.enqueue_indirect_dma source(%dma_start3A_77 : memref<100000x16xf32, #tpu.memory_space<hbm>>) target(%dma_start3A_71 : memref<128x16xf32, #tpu.memory_space<vmem>>) offsets(%dma_start3A_74 : memref<128xi32, #tpu.memory_space<vmem>>) semaphore(%arg12 : memref<!tpu.dma_semaphore, #tpu.memory_space<semaphore_mem>>)
    %dma_start3A_78 = arith.constant 3 : i32
    %dma_start3A_79 = arith.constant 384 : i32
    %dma_start3A_80 = arith.constant 0 : i32
    %dma_start3A_81 = tpu.memref_slice %arg9[%dma_start3A_79, %dma_start3A_80] : memref<512x16xf32, #tpu.memory_space<vmem>> -> memref<128x16xf32, #tpu.memory_space<vmem>>
    %dma_start3A_82 = arith.constant 0 : i32
    %dma_start3A_83 = tpu.memref_slice %arg7[%dma_start3A_78, %dma_start3A_82] : memref<4x128xi32, #tpu.memory_space<vmem>> -> memref<1x128xi32, #tpu.memory_space<vmem>>
    %dma_start3A_84 = tpu.memref_squeeze %dma_start3A_83 : memref<1x128xi32, #tpu.memory_space<vmem>> -> memref<128xi32, #tpu.memory_space<vmem>>
    %dma_start3A_85 = arith.constant 0 : i32
    %dma_start3A_86 = arith.constant 0 : i32
    %dma_start3A_87 = tpu.memref_slice %arg4[%dma_start3A_85, %dma_start3A_86] : memref<100000x16xf32, #tpu.memory_space<hbm>> -> memref<100000x16xf32, #tpu.memory_space<hbm>>
    tpu.enqueue_indirect_dma source(%dma_start3A_87 : memref<100000x16xf32, #tpu.memory_space<hbm>>) target(%dma_start3A_81 : memref<128x16xf32, #tpu.memory_space<vmem>>) offsets(%dma_start3A_84 : memref<128xi32, #tpu.memory_space<vmem>>) semaphore(%arg12 : memref<!tpu.dma_semaphore, #tpu.memory_space<semaphore_mem>>)
    %dma_wait3A = arith.constant 0 : i32
    %dma_wait3A_88 = tpu.memref_slice %arg5[%mul3A_2, %dma_wait3A] : memref<16384x16xf32, #tpu.memory_space<hbm>> -> memref<512x16xf32, #tpu.memory_space<hbm>>
    %dma_wait3A_89 = arith.constant 0 : i32
    %dma_wait3A_90 = tpu.memref_slice %arg5[%mul3A_2, %dma_wait3A_89] : memref<16384x16xf32, #tpu.memory_space<hbm>> -> memref<512x16xf32, #tpu.memory_space<hbm>>
    tpu.wait_dma2 semaphore(%arg12 : memref<!tpu.dma_semaphore, #tpu.memory_space<semaphore_mem>>) src(%dma_wait3A_90 : memref<512x16xf32, #tpu.memory_space<hbm>>) dst(%arg10 : memref<512x16xf32, #tpu.memory_space<vmem>>)
    %dma_wait3A_91 = arith.constant 0 : i32
    %dma_wait3A_92 = arith.constant 0 : i32
    %dma_wait3A_93 = arith.constant 0 : i32
    %dma_wait3A_94 = tpu.memref_slice %arg8[%dma_wait3A_92, %dma_wait3A_93] : memref<512x16xf32, #tpu.memory_space<vmem>> -> memref<128x16xf32, #tpu.memory_space<vmem>>
    %dma_wait3A_95 = arith.constant 0 : i32
    %dma_wait3A_96 = tpu.memref_slice %arg7[%dma_wait3A_91, %dma_wait3A_95] : memref<4x128xi32, #tpu.memory_space<vmem>> -> memref<1x128xi32, #tpu.memory_space<vmem>>
    %dma_wait3A_97 = tpu.memref_squeeze %dma_wait3A_96 : memref<1x128xi32, #tpu.memory_space<vmem>> -> memref<128xi32, #tpu.memory_space<vmem>>
    %dma_wait3A_98 = arith.constant 0 : i32
    %dma_wait3A_99 = arith.constant 0 : i32
    %dma_wait3A_100 = tpu.memref_slice %arg3[%dma_wait3A_98, %dma_wait3A_99] : memref<100000x16xf32, #tpu.memory_space<hbm>> -> memref<100000x16xf32, #tpu.memory_space<hbm>>
    tpu.wait_indirect_dma semaphore(%arg12 : memref<!tpu.dma_semaphore, #tpu.memory_space<semaphore_mem>>) src(%dma_wait3A_100 : memref<100000x16xf32, #tpu.memory_space<hbm>>) dst(%dma_wait3A_94 : memref<128x16xf32, #tpu.memory_space<vmem>>)
    %dma_wait3A_101 = arith.constant 0 : i32
    %dma_wait3A_102 = arith.constant 0 : i32
    %dma_wait3A_103 = arith.constant 0 : i32
    %dma_wait3A_104 = tpu.memref_slice %arg9[%dma_wait3A_102, %dma_wait3A_103] : memref<512x16xf32, #tpu.memory_space<vmem>> -> memref<128x16xf32, #tpu.memory_space<vmem>>
    %dma_wait3A_105 = arith.constant 0 : i32
    %dma_wait3A_106 = tpu.memref_slice %arg7[%dma_wait3A_101, %dma_wait3A_105] : memref<4x128xi32, #tpu.memory_space<vmem>> -> memref<1x128xi32, #tpu.memory_space<vmem>>
    %dma_wait3A_107 = tpu.memref_squeeze %dma_wait3A_106 : memref<1x128xi32, #tpu.memory_space<vmem>> -> memref<128xi32, #tpu.memory_space<vmem>>
    %dma_wait3A_108 = arith.constant 0 : i32
    %dma_wait3A_109 = arith.constant 0 : i32
    %dma_wait3A_110 = tpu.memref_slice %arg4[%dma_wait3A_108, %dma_wait3A_109] : memref<100000x16xf32, #tpu.memory_space<hbm>> -> memref<100000x16xf32, #tpu.memory_space<hbm>>
    tpu.wait_indirect_dma semaphore(%arg12 : memref<!tpu.dma_semaphore, #tpu.memory_space<semaphore_mem>>) src(%dma_wait3A_110 : memref<100000x16xf32, #tpu.memory_space<hbm>>) dst(%dma_wait3A_104 : memref<128x16xf32, #tpu.memory_space<vmem>>)
    %dma_wait3A_111 = arith.constant 1 : i32
    %dma_wait3A_112 = arith.constant 128 : i32
    %dma_wait3A_113 = arith.constant 0 : i32
    %dma_wait3A_114 = tpu.memref_slice %arg8[%dma_wait3A_112, %dma_wait3A_113] : memref<512x16xf32, #tpu.memory_space<vmem>> -> memref<128x16xf32, #tpu.memory_space<vmem>>
    %dma_wait3A_115 = arith.constant 0 : i32
    %dma_wait3A_116 = tpu.memref_slice %arg7[%dma_wait3A_111, %dma_wait3A_115] : memref<4x128xi32, #tpu.memory_space<vmem>> -> memref<1x128xi32, #tpu.memory_space<vmem>>
    %dma_wait3A_117 = tpu.memref_squeeze %dma_wait3A_116 : memref<1x128xi32, #tpu.memory_space<vmem>> -> memref<128xi32, #tpu.memory_space<vmem>>
    %dma_wait3A_118 = arith.constant 0 : i32
    %dma_wait3A_119 = arith.constant 0 : i32
    %dma_wait3A_120 = tpu.memref_slice %arg3[%dma_wait3A_118, %dma_wait3A_119] : memref<100000x16xf32, #tpu.memory_space<hbm>> -> memref<100000x16xf32, #tpu.memory_space<hbm>>
    tpu.wait_indirect_dma semaphore(%arg12 : memref<!tpu.dma_semaphore, #tpu.memory_space<semaphore_mem>>) src(%dma_wait3A_120 : memref<100000x16xf32, #tpu.memory_space<hbm>>) dst(%dma_wait3A_114 : memref<128x16xf32, #tpu.memory_space<vmem>>)
    %dma_wait3A_121 = arith.constant 1 : i32
    %dma_wait3A_122 = arith.constant 128 : i32
    %dma_wait3A_123 = arith.constant 0 : i32
    %dma_wait3A_124 = tpu.memref_slice %arg9[%dma_wait3A_122, %dma_wait3A_123] : memref<512x16xf32, #tpu.memory_space<vmem>> -> memref<128x16xf32, #tpu.memory_space<vmem>>
    %dma_wait3A_125 = arith.constant 0 : i32
    %dma_wait3A_126 = tpu.memref_slice %arg7[%dma_wait3A_121, %dma_wait3A_125] : memref<4x128xi32, #tpu.memory_space<vmem>> -> memref<1x128xi32, #tpu.memory_space<vmem>>
    %dma_wait3A_127 = tpu.memref_squeeze %dma_wait3A_126 : memref<1x128xi32, #tpu.memory_space<vmem>> -> memref<128xi32, #tpu.memory_space<vmem>>
    %dma_wait3A_128 = arith.constant 0 : i32
    %dma_wait3A_129 = arith.constant 0 : i32
    %dma_wait3A_130 = tpu.memref_slice %arg4[%dma_wait3A_128, %dma_wait3A_129] : memref<100000x16xf32, #tpu.memory_space<hbm>> -> memref<100000x16xf32, #tpu.memory_space<hbm>>
    tpu.wait_indirect_dma semaphore(%arg12 : memref<!tpu.dma_semaphore, #tpu.memory_space<semaphore_mem>>) src(%dma_wait3A_130 : memref<100000x16xf32, #tpu.memory_space<hbm>>) dst(%dma_wait3A_124 : memref<128x16xf32, #tpu.memory_space<vmem>>)
    %dma_wait3A_131 = arith.constant 2 : i32
    %dma_wait3A_132 = arith.constant 256 : i32
    %dma_wait3A_133 = arith.constant 0 : i32
    %dma_wait3A_134 = tpu.memref_slice %arg8[%dma_wait3A_132, %dma_wait3A_133] : memref<512x16xf32, #tpu.memory_space<vmem>> -> memref<128x16xf32, #tpu.memory_space<vmem>>
    %dma_wait3A_135 = arith.constant 0 : i32
    %dma_wait3A_136 = tpu.memref_slice %arg7[%dma_wait3A_131, %dma_wait3A_135] : memref<4x128xi32, #tpu.memory_space<vmem>> -> memref<1x128xi32, #tpu.memory_space<vmem>>
    %dma_wait3A_137 = tpu.memref_squeeze %dma_wait3A_136 : memref<1x128xi32, #tpu.memory_space<vmem>> -> memref<128xi32, #tpu.memory_space<vmem>>
    %dma_wait3A_138 = arith.constant 0 : i32
    %dma_wait3A_139 = arith.constant 0 : i32
    %dma_wait3A_140 = tpu.memref_slice %arg3[%dma_wait3A_138, %dma_wait3A_139] : memref<100000x16xf32, #tpu.memory_space<hbm>> -> memref<100000x16xf32, #tpu.memory_space<hbm>>
    tpu.wait_indirect_dma semaphore(%arg12 : memref<!tpu.dma_semaphore, #tpu.memory_space<semaphore_mem>>) src(%dma_wait3A_140 : memref<100000x16xf32, #tpu.memory_space<hbm>>) dst(%dma_wait3A_134 : memref<128x16xf32, #tpu.memory_space<vmem>>)
    %dma_wait3A_141 = arith.constant 2 : i32
    %dma_wait3A_142 = arith.constant 256 : i32
    %dma_wait3A_143 = arith.constant 0 : i32
    %dma_wait3A_144 = tpu.memref_slice %arg9[%dma_wait3A_142, %dma_wait3A_143] : memref<512x16xf32, #tpu.memory_space<vmem>> -> memref<128x16xf32, #tpu.memory_space<vmem>>
    %dma_wait3A_145 = arith.constant 0 : i32
    %dma_wait3A_146 = tpu.memref_slice %arg7[%dma_wait3A_141, %dma_wait3A_145] : memref<4x128xi32, #tpu.memory_space<vmem>> -> memref<1x128xi32, #tpu.memory_space<vmem>>
    %dma_wait3A_147 = tpu.memref_squeeze %dma_wait3A_146 : memref<1x128xi32, #tpu.memory_space<vmem>> -> memref<128xi32, #tpu.memory_space<vmem>>
    %dma_wait3A_148 = arith.constant 0 : i32
    %dma_wait3A_149 = arith.constant 0 : i32
    %dma_wait3A_150 = tpu.memref_slice %arg4[%dma_wait3A_148, %dma_wait3A_149] : memref<100000x16xf32, #tpu.memory_space<hbm>> -> memref<100000x16xf32, #tpu.memory_space<hbm>>
    tpu.wait_indirect_dma semaphore(%arg12 : memref<!tpu.dma_semaphore, #tpu.memory_space<semaphore_mem>>) src(%dma_wait3A_150 : memref<100000x16xf32, #tpu.memory_space<hbm>>) dst(%dma_wait3A_144 : memref<128x16xf32, #tpu.memory_space<vmem>>)
    %dma_wait3A_151 = arith.constant 3 : i32
    %dma_wait3A_152 = arith.constant 384 : i32
    %dma_wait3A_153 = arith.constant 0 : i32
    %dma_wait3A_154 = tpu.memref_slice %arg8[%dma_wait3A_152, %dma_wait3A_153] : memref<512x16xf32, #tpu.memory_space<vmem>> -> memref<128x16xf32, #tpu.memory_space<vmem>>
    %dma_wait3A_155 = arith.constant 0 : i32
    %dma_wait3A_156 = tpu.memref_slice %arg7[%dma_wait3A_151, %dma_wait3A_155] : memref<4x128xi32, #tpu.memory_space<vmem>> -> memref<1x128xi32, #tpu.memory_space<vmem>>
    %dma_wait3A_157 = tpu.memref_squeeze %dma_wait3A_156 : memref<1x128xi32, #tpu.memory_space<vmem>> -> memref<128xi32, #tpu.memory_space<vmem>>
    %dma_wait3A_158 = arith.constant 0 : i32
    %dma_wait3A_159 = arith.constant 0 : i32
    %dma_wait3A_160 = tpu.memref_slice %arg3[%dma_wait3A_158, %dma_wait3A_159] : memref<100000x16xf32, #tpu.memory_space<hbm>> -> memref<100000x16xf32, #tpu.memory_space<hbm>>
    tpu.wait_indirect_dma semaphore(%arg12 : memref<!tpu.dma_semaphore, #tpu.memory_space<semaphore_mem>>) src(%dma_wait3A_160 : memref<100000x16xf32, #tpu.memory_space<hbm>>) dst(%dma_wait3A_154 : memref<128x16xf32, #tpu.memory_space<vmem>>)
    %dma_wait3A_161 = arith.constant 3 : i32
    %dma_wait3A_162 = arith.constant 384 : i32
    %dma_wait3A_163 = arith.constant 0 : i32
    %dma_wait3A_164 = tpu.memref_slice %arg9[%dma_wait3A_162, %dma_wait3A_163] : memref<512x16xf32, #tpu.memory_space<vmem>> -> memref<128x16xf32, #tpu.memory_space<vmem>>
    %dma_wait3A_165 = arith.constant 0 : i32
    %dma_wait3A_166 = tpu.memref_slice %arg7[%dma_wait3A_161, %dma_wait3A_165] : memref<4x128xi32, #tpu.memory_space<vmem>> -> memref<1x128xi32, #tpu.memory_space<vmem>>
    %dma_wait3A_167 = tpu.memref_squeeze %dma_wait3A_166 : memref<1x128xi32, #tpu.memory_space<vmem>> -> memref<128xi32, #tpu.memory_space<vmem>>
    %dma_wait3A_168 = arith.constant 0 : i32
    %dma_wait3A_169 = arith.constant 0 : i32
    %dma_wait3A_170 = tpu.memref_slice %arg4[%dma_wait3A_168, %dma_wait3A_169] : memref<100000x16xf32, #tpu.memory_space<hbm>> -> memref<100000x16xf32, #tpu.memory_space<hbm>>
    tpu.wait_indirect_dma semaphore(%arg12 : memref<!tpu.dma_semaphore, #tpu.memory_space<semaphore_mem>>) src(%dma_wait3A_170 : memref<100000x16xf32, #tpu.memory_space<hbm>>) dst(%dma_wait3A_164 : memref<128x16xf32, #tpu.memory_space<vmem>>)
    %scan3A = arith.constant 0 : i32
    %scan3A_171 = arith.constant 0 : i32
    %scan3A_172 = arith.constant 512 : i32
    %scan3A_173 = arith.addi %scan3A_171, %scan3A_172 : i32
    %scan3A_174 = arith.constant 1 : i32
    %scan3A_175 = scf.for %scan3A_177 = %scan3A_171 to %scan3A_173 step %scan3A_174 iter_args(%scan3A_178 = %scan3A) -> (i32)  : i32 {
      %get3A = arith.index_cast %scan3A_177 : i32 to index
      %get3A_179 = arith.constant 0 : index
      %get3A_180 = tpu.vector_load %arg8[%get3A, %get3A_179] {strides = array<i32>} : memref<512x16xf32, #tpu.memory_space<vmem>>, vector<1x16xf32>,
      %get3A_181 = vector.shape_cast %get3A_180 : vector<1x16xf32> to vector<16xf32>
      %get3A_182 = arith.index_cast %scan3A_177 : i32 to index
      %get3A_183 = arith.constant 0 : index
      %get3A_184 = tpu.vector_load %arg9[%get3A_182, %get3A_183] {strides = array<i32>} : memref<512x16xf32, #tpu.memory_space<vmem>>, vector<1x16xf32>,
      %get3A_185 = vector.shape_cast %get3A_184 : vector<1x16xf32> to vector<16xf32>
      %exp3A = math.exp %get3A_185 : vector<16xf32>
      %get3A_186 = arith.index_cast %scan3A_177 : i32 to index
      %get3A_187 = arith.constant 0 : index
      %get3A_188 = tpu.vector_load %arg10[%get3A_186, %get3A_187] {strides = array<i32>} : memref<512x16xf32, #tpu.memory_space<vmem>>, vector<1x16xf32>,
      %get3A_189 = vector.shape_cast %get3A_188 : vector<1x16xf32> to vector<16xf32>
      %mul3A_190 = arith.mulf %exp3A, %get3A_189 : vector<16xf32>
      %add3A_191 = arith.addf %get3A_181, %mul3A_190 : vector<16xf32>
      %swap3A = arith.index_cast %scan3A_177 : i32 to index
      %swap3A_192 = arith.constant 0 : index
      %swap3A_193 = tpu.vector_load %arg11[%swap3A, %swap3A_192] {strides = array<i32>} : memref<512x16xf32, #tpu.memory_space<vmem>>, vector<1x16xf32>,
      %swap3A_194 = vector.shape_cast %swap3A_193 : vector<1x16xf32> to vector<16xf32>
      %swap3A_195 = vector.shape_cast %add3A_191 : vector<16xf32> to vector<1x16xf32>
      tpu.vector_store %arg11[%swap3A, %swap3A_192], %swap3A_195 {strides = array<i32>} : memref<512x16xf32, #tpu.memory_space<vmem>>, vector<1x16xf32>,
      %scan3A_196 = arith.constant 0 : i32
      scf.yield %scan3A_196 : i32
    }
    %scan3A_176 = arith.constant 512 : i32
    "tpu.region"() ({
      %run_scoped3A = tpu.sem_alloc : memref<!tpu.dma_semaphore, #tpu.memory_space<semaphore_mem>>
      %dma_start3A_177 = arith.constant 0 : i32
      %dma_start3A_178 = tpu.memref_slice %arg6[%mul3A_2, %dma_start3A_177] : memref<16384x16xf32, #tpu.memory_space<hbm>> -> memref<512x16xf32, #tpu.memory_space<hbm>>
      %dma_start3A_179 = arith.constant 0 : i32
      %dma_start3A_180 = tpu.memref_slice %arg6[%mul3A_2, %dma_start3A_179] : memref<16384x16xf32, #tpu.memory_space<hbm>> -> memref<512x16xf32, #tpu.memory_space<hbm>>
      tpu.enqueue_dma source(%arg11 : memref<512x16xf32, #tpu.memory_space<vmem>>) target(%dma_start3A_180 : memref<512x16xf32, #tpu.memory_space<hbm>>) target_semaphore(%run_scoped3A : memref<!tpu.dma_semaphore, #tpu.memory_space<semaphore_mem>>)
      %dma_wait3A_181 = arith.constant 0 : i32
      %dma_wait3A_182 = tpu.memref_slice %arg6[%mul3A_2, %dma_wait3A_181] : memref<16384x16xf32, #tpu.memory_space<hbm>> -> memref<512x16xf32, #tpu.memory_space<hbm>>
      %dma_wait3A_183 = arith.constant 0 : i32
      %dma_wait3A_184 = tpu.memref_slice %arg6[%mul3A_2, %dma_wait3A_183] : memref<16384x16xf32, #tpu.memory_space<hbm>> -> memref<512x16xf32, #tpu.memory_space<hbm>>
      tpu.wait_dma2 semaphore(%run_scoped3A : memref<!tpu.dma_semaphore, #tpu.memory_space<semaphore_mem>>) src(%arg11 : memref<512x16xf32, #tpu.memory_space<vmem>>) dst(%dma_wait3A_184 : memref<512x16xf32, #tpu.memory_space<hbm>>)
      tpu.yield
    }) : () -> ()
    return
  }
}

</mosaic_0001>

<sc_bundles>
// kernel: _run.3.cloned.1.call-start
scs
__scs_entry_jumppad:
0x0: {  	(pc) =	sbr.rel $0x88, $3  }
0x1: {  	(tag) =	ssettag $0x0;
	lr =	simm.s32 $0x1  }
0x2: {  	[smem:$0x3F9D] =	sst lr;
	_ =	strace $0xD0000000  }
0x3: {  	_ = 	snop  }
0x4: {  	_ = 	snop  }
0x5: {  	_ = 	snop  }
0x6: {  	_ = 	snop  }
0x7: {  	_ = 	snop  }
__scs_overlays_trampoline_lowered:
0x8: {  	[smem:$0x3FAC] =	sst s0  }
0x9: {  	[smem:$0x3FAD] =	sst s1  }
0xa: {  	[smem:$0x3FAE] =	sst s2  }
0xb: {  	[smem:$0x3FAF] =	sst s3  }
0xc: {  	[smem:$0x3FB0] =	sst s4  }
0xd: {  	[smem:$0x3FB1] =	sst s5  }
0xe: {  	[smem:$0x3FB2] =	sst s6  }
0xf: {  	[smem:$0x3FB3] =	sst s7  }
0x10: {  	[smem:$0x3FB4] =	sst s8  }
0x11: {  	[smem:$0x3FB5] =	sst s9;
	s0 =	simm.s32 @!p0 $0x0  }
0x12: {  	s1 =	sld [smem:$0x3F9B];
	s0 =	simm.s32 @p0 $0x1  }
0x13: {  	[smem:$0x3FB6] =	sst s0;
	s0 =	simm.s32 @!p1 $0x0  }
0x14: {  	s2 =	sld [smem:$0x3F9A];
	s0 =	simm.s32 @p1 $0x1  }
0x15: {  	[smem:$0x3FB7] =	sst s0;
	s0 =	simm.s32 @!p2 $0x0  }
0x16: {  	s3 =	sld [smem:$0x3FDB];
	s0 =	simm.s32 @p2 $0x1  }
0x17: {  	s4 =	simm.s32 $0x1BF5;
	[smem:$0x3FB9] =	sst s0  }
0x18: {  	s0 =	sld [smem:$0x3F9C];
	_ =	swait.ge [sflag:s4], $0x0  }
0x19: {  	s7 =	sld [smem:$0x3F9D]  }
0x1a: {  	s8 =	sadd.s32 $0xFFFFE003, lr  }
0x1b: {  	s9 =	sadd.s32 $0xFFFFFEF7, lr;
	s5 =	simm.s32 $0xFFFFFFFF;
	p2 =	slt.u32 s8, $0xFFFFF086  }
0x1c: {  	p1 =	slt.u32 s9, $0xF7A;
	s5 =	simm.s32 @!p2 $0x0  }
0x1d: {  	s5 =	simm.s32 @p1 $0x1;
	p0 =	seq.s32 s7, s2  }
0x1e: {  	s7 =	smul.u32 @!p0 $0xF7A, s2;
	p2 =	seq.s32 @!p0 s5, $0x0  }
0x1f: {  	s9 =	smul.u32 $0xF7A, s1;
	s8 =	simm.s32 @!p0 $0x1BF5;
	p2 =	por !p2, p0  }
0x20: {  	[sflag:s8] =	ssyncset.s32 @!p0 $0xFFFFF086;
	s6 =	sadd.s32 @!p0 s3, s7;
	s7 =	simm.s32 @!p0 $0x108  }
0x21: {  	s3 =	sadd.s32 s3, s9;
	s6 =	sadd.s32 @!p0 $0x88, s6;
	s7 =	simm.s32 @p2 $0x1082  }
0x22: {  	[simem:s7], [sflag:s8] =	dma.local @!p0 [hbm:s6], $0xF7A  }
0x23: {  	s9 =	sor.u32 $0xD0000000, s2;
	s6 =	simm.s32 $0x108;
	_ =	swait.ge @!p0 [sflag:s8], $0x0  }
0x24: {  	s3 =	sadd.s32 $0x88, s3;
	s6 =	simm.s32 @!p1 $0x1082;
	[sflag:s4] =	ssyncset.s32 $0xFFFFF086  }
0x25: {  	[simem:s6], [sflag:s4] =	dma.local [hbm:s3], $0xF7A  }
0x26: {  	[smem:$0x3F9D] =	sst s1;
	(tag) =	ssettag s2;
	_ =	strace s9  }
0x27: {  	s1 =	sld [smem:$0x3FAD]  }
0x28: {  	s2 =	sld [smem:$0x3FAE]  }
0x29: {  	s4 =	sld [smem:$0x3FB0]  }
0x2a: {  	p0 =	seq.s32 s5, $0x0;
	s5 =	sld [smem:$0x3FB1]  }
0x2b: {  	s6 =	sld [smem:$0x3FB2]  }
0x2c: {  	s7 =	sld [smem:$0x3FB3]  }
0x2d: {  	s3 =	simm.s32 $0x108;
	s8 =	sld [smem:$0x3FB4]  }
0x2e: {  	s3 =	simm.s32 @!p0 $0x1082;
	s9 =	sld [smem:$0x3FB5]  }
0x2f: {  	lr =	sadd.s32 s0, s3;
	s0 =	sld [smem:$0x3FAC]  }
0x30: {  	s3 =	sld [smem:$0x3FAF]  }
0x31: {  	[smem:$0x3FB8] =	sst s10  }
0x32: {  	s10 =	sld [smem:$0x3FB6];
	_ =	sdelay $0x3  }
0x33: {  	p0 =	seq.s32 s10, $0x1;
	s10 =	sld [smem:$0x3FB8];
	_ =	sdelay $0x3  }
0x34: {  	[smem:$0x3FB8] =	sst s10  }
0x35: {  	s10 =	sld [smem:$0x3FB7];
	_ =	sdelay $0x3  }
0x36: {  	p1 =	seq.s32 s10, $0x1;
	s10 =	sld [smem:$0x3FB8];
	_ =	sdelay $0x3  }
0x37: {  	[smem:$0x3FB8] =	sst s10  }
0x38: {  	s10 =	sld [smem:$0x3FB9]  }
0x39: {  	_ = 	snop;
	(pc) =	sbr.ind lr, $3  }
0x3a: {  	_ = 	snop  }
0x3b: {  	_ = 	snop  }
0x3c: {  	p2 =	seq.s32 s10, $0x1;
	s10 =	sld [smem:$0x3FB8]  }
0x3d: {  	_ =	shalt  }
0x3e: {  	_ =	shalt  }
0x3f: {  	_ =	shalt  }
0x40: {  	_ =	shalt  }
0x41: {  	_ =	shalt  }
0x42: {  	_ =	shalt  }
0x43: {  	_ =	shalt  }
0x44: {  	_ =	shalt  }
0x45: {  	_ =	shalt  }
0x46: {  	_ =	shalt  }
0x47: {  	_ =	shalt  }
0x48: {  	_ =	shalt  }
0x49: {  	_ =	shalt  }
0x4a: {  	_ =	shalt  }
0x4b: {  	_ =	shalt  }
0x4c: {  	_ =	shalt  }
0x4d: {  	_ =	shalt  }
0x4e: {  	_ =	shalt  }
0x4f: {  	_ =	shalt  }
0x50: {  	_ =	shalt  }
0x51: {  	_ =	shalt  }
0x52: {  	_ =	shalt  }
0x53: {  	_ =	shalt  }
0x54: {  	_ =	shalt  }
0x55: {  	_ =	shalt  }
0x56: {  	_ =	shalt  }
0x57: {  	_ =	shalt  }
0x58: {  	_ =	shalt  }
0x59: {  	_ =	shalt  }
0x5a: {  	_ =	shalt  }
0x5b: {  	_ =	shalt  }
0x5c: {  	_ =	shalt  }
0x5d: {  	_ =	shalt  }
0x5e: {  	_ =	shalt  }
0x5f: {  	_ =	shalt  }
0x60: {  	_ =	shalt  }
0x61: {  	_ =	shalt  }
0x62: {  	_ =	shalt  }
0x63: {  	_ =	shalt  }
0x64: {  	_ =	shalt  }
0x65: {  	_ =	shalt  }
0x66: {  	_ =	shalt  }
0x67: {  	_ =	shalt  }
0x68: {  	_ =	shalt  }
0x69: {  	_ =	shalt  }
0x6a: {  	_ =	shalt  }
0x6b: {  	_ =	shalt  }
0x6c: {  	_ =	shalt  }
0x6d: {  	_ =	shalt  }
0x6e: {  	_ =	shalt  }
0x6f: {  	_ =	shalt  }
0x70: {  	_ =	shalt  }
0x71: {  	_ =	shalt  }
0x72: {  	_ =	shalt  }
0x73: {  	_ =	shalt  }
0x74: {  	_ =	shalt  }
0x75: {  	_ =	shalt  }
0x76: {  	_ =	shalt  }
0x77: {  	_ =	shalt  }
0x78: {  	_ =	shalt  }
0x79: {  	_ =	shalt  }
0x7a: {  	_ =	shalt  }
0x7b: {  	_ =	shalt  }
0x7c: {  	_ =	shalt  }
0x7d: {  	_ =	shalt  }
0x7e: {  	_ =	shalt  }
0x7f: {  	_ =	shalt  }
0x80: {  	_ =	shalt  }
0x81: {  	_ =	shalt  }
0x82: {  	_ =	shalt  }
0x83: {  	_ =	shalt  }
0x84: {  	_ =	shalt  }
0x85: {  	_ =	shalt  }
0x86: {  	_ =	shalt  }
0x87: {  	_ =	shalt  }
.Lfunc_end0:
.L_simem_size_0:
called_computation_lowered:
.L_overlay_start_0:
0x88: {  	s2 =	sld [smem:$0x3FD9]  }
0x89: {  	s3 =	sld [smem:$0x3FFE];
	_ =	sdelay $0x1  }
0x8a: {  	s1 =	srdreg.scid  }
0x8b: {  	s0 =	sand.u32 $0x1, s1  }
0x8c: {  	s17 =	sshll.u32 s0, $0xA;
	s2 =	sadd.s32 s3, s2  }
0x8d: {  	s2 =	sadd.s32 s2, s17  }
0x8e: {  	[smem:$0x3FC4] =	sst s2  }
0x8f: {  	_ = 	snop  }
0x90: {  	s2 =	sld [smem:$0x3FC9]  }
0x91: {  	s18 =	sld [smem:$0x3FD0];
	(tm) =	ssettm $0x1  }
0x92: {  	s4 =	sld [smem:$0x3FFB];
	_ =	sdelay $0x3  }
0x93: {  	_ =	strace s4  }
0x94: {  	s4 =	sld [smem:$0x3FFC];
	_ =	sdelay $0x3  }
0x95: {  	_ =	strace s4  }
0x96: {  	s4 =	sld [smem:$0x3FFD];
	_ =	sdelay $0x3  }
0x97: {  	_ =	strace s4  }
0x98: {  	_ =	strace $0x8FFFFFFF  }
0x99: {  	s19 =	sld [smem:$0x3FDB];
	_ =	sdelay $0x1  }
0x9a: {  	s5 =	simm.s32 $_scs_section_size  }
0x9b: {  	s6 =	simm.s32 $_size__tile_overlayer_lowered;
	s7 =	simm.s32 $_tile_overlayer_lowered  }
0x9c: {  	s22 =	simm.s32 $0x1BFF;
	s21 =	sshll.u32 s7, $0x1;
	s4 =	sadd.s32 s5, s19  }
0x9d: {  	s8 =	simm.s32 $0x0;
	s20 =	sshll.u32 s6, $0x1;
	s6 =	sadd.s32 s21, s4  }
0x9e: {  	[timem:s8], [sflag:s22] =	dma.local [hbm:s6], s20  }
0x9f: {  	_ =	swait.ge [sflag:s22], s20  }
0xa0: {  	s5 =	ssub.s32 $0x0, s20;
	[sflag:s22] =	ssyncset.done $0x0  }
0xa1: {  	[sflag:s22] =	ssyncadd.s32 s5;
	_ =	sdelay $0x1  }
0xa2: {  	s23 =	simm.s32 $0x1B8B  }
0xa3: {  	_ =	swait.ge [sflag:s23], $0x1  }
0xa4: {  	[sflag:s23] =	ssyncset.done $0x0  }
0xa5: {  	s25 =	simm.s32 $0x1B8E;
	s24 =	sld [smem:$0x3FFE];
	[sflag:s23] =	ssyncadd.s32 $0xFFFFFFFF  }
0xa6: {  	s26 =	simm.s32 $execute0_lowered;
	[smem:$0x3FD2] =	sst s25  }
0xa7: {  	s6 =	sshll.u32 s26, $0x1;
	_ =	strace $0x80000046;
	[dreg:$0x1] =	wrdreg $0xFFFFFFFF  }
0xa8: {  	s28 =	simm.s32 $_size_execute0_lowered;
	s4 =	sadd.s32 s4, s6;
	[dreg:$0x0] =	wrdreg $0x0  }
0xa9: {  	s6 =	sshll.u32 s28, $0x1;
	[dreg:$0x2] =	wrdreg s4  }
0xaa: {  	[dreg:$0x3] =	wrdreg s6  }
0xab: {  	[dreg:$0x4] =	wrdreg $0xC0  }
0xac: {  	_ =	task [dreg:s8], $0x5FFFF  }
0xad: {  	[dreg:$0x1] =	wrdreg $0xFFFFFFFF  }
0xae: {  	[dreg:$0x0] =	wrdreg $0x60  }
0xaf: {  	[dreg:$0x2] =	wrdreg s2  }
0xb0: {  	[dreg:$0x3] =	wrdreg s24  }
0xb1: {  	[dreg:$0x4] =	wrdreg s18  }
0xb2: {  	[dreg:$0x5] =	wrdreg $0x9  }
0xb3: {  	_ =	task.clear_ibuf [dreg:s8], $0x6FFFF;
	_ =	strace $0x90000046  }
0xb4: {  	s29 =	simm.s32 $0x9;
	_ =	strace $0x80000048  }
0xb5: {  	_ =	swait.ge [sflag:s29], $0x1  }
0xb6: {  	[sflag:s29] =	ssyncadd.s32 $0xFFFFFFFF  }
0xb7: {  	_ =	strace $0x90000048  }
0xb8: {  	_ =	sfence  }
0xb9: {  	s30 =	sld [smem:$0x0];
	_ =	sdelay $0x2  }
0xba: {  	s31 =	sshll.u32 s1, $0xD;
	s1 =	sshrl.u32 s1, $0x2  }
0xbb: {  	s3 =	sand.u32 $0x4000, s31;
	s1 =	sadd.s32 s1, s30  }
0xbc: {  	s0 =	sor.u32 s3, s0;
	s1 =	sshll.u32 s1, $0x11  }
0xbd: {  	s0 =	sor.u32 s1, s0  }
0xbe: {  	s0 =	sadd.s32 $0x8F2B, s0  }
0xbf: {  	[sflag:s0] =	ssyncadd.remote.s32 $0x1  }
0xc0: {  	_ =	sfence.sel $0xFFFF  }
0xc1: {  	[dreg:$0x0] =	wrdreg $0xFFFFFFFF;
	(pc) =	sbr.abs _section_cstart, $3  }
0xc2: {  	[dreg:$0x1] =	wrdreg $0xFFFFFFFF  }
0xc3: {  	_ =	task.clear_ibuf [dreg:s8], $0x2FFFF;
	_ =	strace $0x9FFFFFFF  }
0xc4: {  	(tm) =	ssettm $0x7FFFFFFF  }
0xc5: {  	_ =	shalt  }
tec
execute0_lowered:
.L_overlay_start_1:
0x0: {  	(tag) =	ssettag $0x1  }
0x1: {  	s5 =	rddreg [dreg:$0x0]  }
0x2: {  	s6 =	rddreg [dreg:$0x1]  }
0x3: {  	s7 =	rddreg [dreg:$0x2]  }
0x4: {  	s0 =	rddreg [dreg:$0x3]  }
0x5: {  	s2 =	simm.s32 $0x0;
	s3 =	srdreg.scid;
	s1 =	stileid.u32  }
0x6: {  	s12 =	simm.s32 $0x200;
	s13 =	simm.s32 $0x2200;
	s14 =	simm.s32 $0xA00  }
0x7: {  	s15 =	simm.s32 $0x2A00;
	s16 =	simm.s32 $0x100;
	s17 =	simm.s32 $0x1200  }
0x8: {  	s18 =	simm.s32 $0x3200;
	s19 =	simm.s32 $0x180;
	s20 =	simm.s32 $0x1A00  }
0x9: {  	s21 =	simm.s32 $0x3A00;
	s22 =	simm.s32 $0x1;
	s23 =	simm.s32 $0x6200  }
0xa: {  	s24 =	simm.s32 $0x0;
	[smem:$0x7FF] =	sst s2;
	s8 =	sand.u32 $0x1, s3  }
0xb: {  	s4 =	sshll.u32 s1, $0x1;
	s3 =	sadd.s32 $0x1B8000, s6;
	_ =	strace $0x80000047  }
0xc: {  	s9 =	sor.u32 s8, s4;
	s4 =	sadd.s32 $0x187200, s6;
	s8 =	ssub.s32 $0x2, s8  }
0xd: {  	s10 =	sshll.u32 s9, $0xA;
	s31 =	sshrl.u32 s8, $0x1;
	s9 =	sshll.u32 s9, $0x6  }
0xe: {  	s11 =	sadd.s32 s10, s6;
	s8 =	ssub.s32 s8, s31;
	s5 =	sadd.s32 s5, s9  }
0xf: {  	s6 =	sadd.s32 s7, s10;
	s9 =	simm.s32 $0x2;
	s10 =	simm.s32 $0x4200  }
0x10: {  	s7 =	sadd.s32 $0x800, s11;
	s8 =	smax.u32 s8, $0x1;
	s11 =	simm.s32 $0x80  }
.LBB2_1:
0x11: {  	[tilespmem:s2], [sflag:$0x2] =	stream.linear.gather [hbm4b:s5+s2], $0x200, $0x38;
	[tilespmem:$0x8200] =	vst v63  }
0x12: {  	_ =	swait.ge [sflag:s9], $0x200  }
0x13: {  	[sflag:s9] =	ssyncset.done $0x0  }
0x14: {  	[sflag:s9] =	ssyncadd.s32 $0xFFFFFE00  }
0x15: {  	[tilespmem:s10], [sflag:$0x1] =	stream.linear.gather [hbm4b:s6+s2], $0x2000, $0x38;
	[tilespmem:$0x8200] =	vst v63  }
0x16: {  	_ = 	snop  }
0x17: {  	[tilespmem:s12], [sflag:$0x1] =	stream.indirect.gather [hbm4b:s3+s11], $0x10, s2, s11, $0xb8;
	[tilespmem:$0x8200] =	vst v63  }
0x18: {  	_ = 	snop  }
0x19: {  	[tilespmem:s13], [sflag:$0x1] =	stream.indirect.gather [hbm4b:s4+s11], $0x10, s2, s11, $0xb8;
	[tilespmem:$0x8200] =	vst v63  }
0x1a: {  	_ = 	snop  }
0x1b: {  	[tilespmem:s14], [sflag:$0x1] =	stream.indirect.gather [hbm4b:s3+s11], $0x10, s11, s11, $0xb8;
	[tilespmem:$0x8200] =	vst v63  }
0x1c: {  	_ = 	snop  }
0x1d: {  	[tilespmem:s15], [sflag:$0x1] =	stream.indirect.gather [hbm4b:s4+s11], $0x10, s11, s11, $0xb8;
	[tilespmem:$0x8200] =	vst v63  }
0x1e: {  	_ = 	snop  }
0x1f: {  	[tilespmem:s17], [sflag:$0x1] =	stream.indirect.gather [hbm4b:s3+s11], $0x10, s16, s11, $0xb8;
	[tilespmem:$0x8200] =	vst v63  }
0x20: {  	_ = 	snop  }
0x21: {  	[tilespmem:s18], [sflag:$0x1] =	stream.indirect.gather [hbm4b:s4+s11], $0x10, s16, s11, $0xb8;
	[tilespmem:$0x8200] =	vst v63  }
0x22: {  	_ = 	snop  }
0x23: {  	[tilespmem:s20], [sflag:$0x1] =	stream.indirect.gather [hbm4b:s3+s11], $0x10, s19, s11, $0xb8;
	[tilespmem:$0x8200] =	vst v63  }
0x24: {  	_ = 	snop  }
0x25: {  	[tilespmem:s21], [sflag:$0x1] =	stream.indirect.gather [hbm4b:s4+s11], $0x10, s19, s11, $0xb8;
	[tilespmem:$0x8200] =	vst v63  }
0x26: {  	_ =	swait.ge [sflag:s22], $0x2000  }
0x27: {  	[sflag:s22] =	ssyncset.done $0x0  }
0x28: {  	[sflag:s22] =	ssyncadd.s32 $0xFFFFE000  }
0x29: {  	_ =	swait.ge [sflag:s22], $0x800  }
0x2a: {  	[sflag:s22] =	ssyncset.done $0x0  }
0x2b: {  	[sflag:s22] =	ssyncadd.s32 $0xFFFFF800  }
0x2c: {  	_ =	swait.ge [sflag:s22], $0x800  }
0x2d: {  	[sflag:s22] =	ssyncset.done $0x0  }
0x2e: {  	[sflag:s22] =	ssyncadd.s32 $0xFFFFF800  }
0x2f: {  	_ =	swait.ge [sflag:s22], $0x800  }
0x30: {  	[sflag:s22] =	ssyncset.done $0x0  }
0x31: {  	[sflag:s22] =	ssyncadd.s32 $0xFFFFF800  }
0x32: {  	_ =	swait.ge [sflag:s22], $0x800  }
0x33: {  	[sflag:s22] =	ssyncset.done $0x0  }
0x34: {  	[sflag:s22] =	ssyncadd.s32 $0xFFFFF800  }
0x35: {  	_ =	swait.ge [sflag:s22], $0x800  }
0x36: {  	[sflag:s22] =	ssyncset.done $0x0  }
0x37: {  	[sflag:s22] =	ssyncadd.s32 $0xFFFFF800  }
0x38: {  	_ =	swait.ge [sflag:s22], $0x800  }
0x39: {  	[sflag:s22] =	ssyncset.done $0x0  }
0x3a: {  	[sflag:s22] =	ssyncadd.s32 $0xFFFFF800  }
0x3b: {  	_ =	swait.ge [sflag:s22], $0x800  }
0x3c: {  	[sflag:s22] =	ssyncset.done $0x0  }
0x3d: {  	[sflag:s22] =	ssyncadd.s32 $0xFFFFF800  }
0x3e: {  	_ =	swait.ge [sflag:s22], $0x800  }
0x3f: {  	[sflag:s22] =	ssyncset.done $0x0  }
0x40: {  	s28 =	simm.s32 $0x0;
	[sflag:s22] =	ssyncadd.s32 $0xFFFFF800  }
0x41: {  	v0 =	vld [tilespmem:s28+$0x2200];
	_ =	sdelay $0x4  }
0x42: {  	v0 =	vmul.f32 $1.442695020e+00, v0  }
0x43: {  	s25 =	simm.s32 $0x10  }
0x44: {  	(erf) = vpow2.f32 v0;
	v0 =	vld [tilespmem:s25+$0x2200];
	_ =	sdelay $0x3  }
0x45: {  	s26 =	simm.s32 $0x20  }
0x46: {  	v2 =	vld [tilespmem:s26+$0x2200];
	v1 =	vmul.f32 $1.442695020e+00, v0  }
0x47: {  	v0 =	vld [tilespmem:s28+$0x4200]  }
0x48: {  	(erf) = vpow2.f32 v1  }
0x49: {  	v1 =	vld [tilespmem:s28+$0x200];
	_ =	sdelay $0x1  }
0x4a: {  	s29 =	simm.s32 $0xC0;
	v3 =	vpop (erf)  }
.LBB2_2:
0x4b: {  	s30 =	sshra.s32 s29, $0x2;
	p0 =	sne.s32 s29, $0x7FC0;
	s29 =	sadd.s32 $0x40, s29;
	v4 =	vmul.f32 $1.442695020e+00, v2;
	v3 =	vmul.f32 v3, v0;
	v0 =	vld [tilespmem:s25+$0x4200]  }
.Ltmp0:
0x4c: {  	v2 =	vld [tilespmem:s30+$0x2200];
	(pc) =	sbr.rel @p0 .LBB2_2-.Ltmp0, $4  }
0x4d: {  	(erf) = vpow2.f32 v4;
	v4 =	vadd.f32 v3, v1  }
0x4e: {  	v1 =	vld [tilespmem:s25+$0x200]  }
0x4f: {  	[tilespmem:s28+$0x6200] =	vst v4;
	s28 =	smov.u32 s25;
	s25 =	smov.u32 s26;
	s26 =	smov.u32 s30  }
0x50: {  	v3 =	vpop (erf)  }
0x51: {  	v2 =	vmul.f32 $1.442695020e+00, v2;
	_ =	sdelay $0x1  }
0x52: {  	v0 =	vmul.f32 v3, v0;
	(erf) = vpow2.f32 v2;
	_ =	sdelay $0x1  }
0x53: {  	v0 =	vadd.f32 v0, v1  }
0x54: {  	v60 =	vld [tilespmem:s25+$0x4200]  }
0x55: {  	v61 =	vld [tilespmem:s25+$0x200];
	[tilespmem:s28+$0x6200] =	vst v0  }
0x56: {  	v0 =	vld [tilespmem:s26+$0x4200];
	_ =	sdelay $0x1  }
0x57: {  	v62 =	vld [tilespmem:s26+$0x200]  }
0x58: {  	v4 =	vpop (erf)  }
0x59: {  	v2 =	vmul.f32 v4, v60;
	v63 =	vpop (erf)  }
0x5a: {  	v0 =	vmul.f32 v63, v0  }
0x5b: {  	v1 =	vadd.f32 v2, v61  }
0x5c: {  	s24 =	sadd.s32 $0x1, s24;
	v0 =	vadd.f32 v0, v62  }
0x5d: {  	p0 =	sne.s32 s24, s8;
	[tilespmem:s25+$0x6200] =	vst v1  }
.Ltmp1:
0x5e: {  	[tilespmem:s26+$0x6200] =	vst v0;
	(pc) =	sbr.rel @p0 .LBB2_1-.Ltmp1, $4  }
0x5f: {  	[hbm4b:s7+s2] =	stream.linear.scatter [tilespmem:s23], [sflag:$0x2], $0x2000, $0x38;
	[tilespmem:$0x8200] =	vst v63  }
0x60: {  	_ =	swait.ge [sflag:s9], $0x2000  }
0x61: {  	[sflag:s9] =	ssyncset.done $0x0  }
0x62: {  	[sflag:s9] =	ssyncadd.s32 $0xFFFFE000  }
0x63: {  	_ =	sfence.sel $0x180000  }
0x64: {  	[bflag:$0x0] =	sbarrier.arrive $0xFFFF  }
0x65: {  	p0 =	sne.s32 s1, $0x0;
	_ =	strace $0x90000047  }
0x66: {  	s0 =	sadd.s32 @!p0 $0x100000, s0;
	[bflag:$0x2] =	sbarrier.arrive $0xFFFF  }
0x67: {  	[sflag:s0] =	ssyncadd.tile.s32 @!p0 $0x1;
	_ =	shalt  }
.Lfunc_end2:
_tile_overlayer_lowered:
.L_overlay_start_2:
0x68: {  	(tag) =	ssettag $0x2  }
0x69: {  	s0 =	rddreg [dreg:$0x0];
	s2 =	stileid.u32  }
0x6a: {  	s1 =	rddreg [dreg:$0x1];
	p0 =	sne.s32 s2, $0x0  }
0x6b: {  	s3 =	rddreg [dreg:$0x2];
	[bflag:$0x3] =	sbarrier.arrive $0xFFFF;
	s2 =	simm.s32 @!p0 $0x1C02  }
0x6c: {  	[timem:s3], [sflag:s2] =	dma.local @!p0 [hbm:s0], s1  }
0x6d: {  	s0 =	simm.s32 @!p0 $0x2  }
0x6e: {  	_ =	swait.ge @!p0 [sflag:s0], s1  }
0x6f: {  	s1 =	ssub.s32 @!p0 $0x0, s1;
	[sflag:s0] =	ssyncset.done @!p0 $0x0  }
0x70: {  	[sflag:s0] =	ssyncadd.s32 @!p0 s1  }
0x71: {  	[bflag:$0x3] =	sbarrier.arrive $0xFFFF  }
0x72: {  	_ =	shalt  }

</sc_bundles>
